<compile_context>
chip_gen: v7x
topology: tpu7x:2x2x1
jax: 0.10.2.dev20260603
libtpu: 0.0.44.dev20260713+nightly
codegen_flags: <defaults>
</compile_context>

<pallas_src>
import jax
import jax.numpy as jnp
import numpy as np
from jax import lax
from jax.experimental import pallas as pl
from jax.experimental.pallas import tpu as pltpu
from jax.experimental.pallas import tpu_sc as plsc

NUM_STATE = 128
V = 100000
B = 16384

RB = 20000
NRB = V // RB

NC, NS = 2, 16
NW = NC * NS
BPW = B // NW
CHUNK = 128
NCHUNK = BPW // CHUNK

_PEN_TABLE = np.concatenate(
    [np.zeros((CHUNK, NUM_STATE), np.float32),
     np.full((CHUNK, NUM_STATE), -1e30, np.float32)], axis=0
)

FB = 8192


def _sc_gather(ut_hbm, idx_hbm, pen_hbm, raw_hbm,
               idx_v, idx_c, flag_v, rows_v, pen_sp, sem, sem2, sem3):
    wid = lax.axis_index("s") * NC + lax.axis_index("c")
    base = wid * BPW

    @pl.when(lax.axis_index("s") == 0)
    def _stage_pen():
        pltpu.sync_copy(pen_hbm, pen_sp)

    pltpu.sync_copy(idx_hbm.at[pl.ds(base, BPW)], idx_v)
    lanes = lax.iota(jnp.int32, 16)

    def _prep(g, carry):
        sl = pl.ds(g * 16, 16)
        raw_idx = idx_v[sl]
        idx_c[sl] = jnp.minimum(raw_idx, V - 1)
        offs = ((g * 16) % CHUNK) + lanes
        flag_v[sl] = jnp.where(raw_idx >= V, CHUNK, 0) + offs
        return carry

    lax.fori_loop(0, BPW // 16, _prep, 0)
    copies = [
        pltpu.async_copy(
            ut_hbm.at[idx_c.at[pl.ds(k * CHUNK, CHUNK)]],
            rows_v.at[pl.ds(k * CHUNK, CHUNK)],
            sem,
        )
        for k in range(NCHUNK)
    ]
    plsc.subcore_barrier()
    adds = []
    for k in range(NCHUNK):
        copies[k].wait()
        adds.append(
            pltpu.async_copy(
                pen_sp.at[flag_v.at[pl.ds(k * CHUNK, CHUNK)]],
                rows_v.at[pl.ds(k * CHUNK, CHUNK)],
                sem2,
                add=True,
            )
        )
    outs = []
    for k in range(NCHUNK):
        adds[k].wait()
        outs.append(
            pltpu.async_copy(
                rows_v.at[pl.ds(k * CHUNK, CHUNK)],
                raw_hbm.at[pl.ds(base + k * CHUNK, CHUNK)],
                sem3,
            )
        )
    for o in outs:
        o.wait()


def _tc_sumexp(ut_ref, rinv_ref, acc_ref):
    i = pl.program_id(0)

    @pl.when(i == 0)
    def _init():
        acc_ref[...] = jnp.zeros_like(acc_ref)

    acc_ref[...] += jnp.sum(jnp.exp(ut_ref[...]), axis=0, keepdims=True)

    @pl.when(i == NRB - 1)
    def _fin():
        rinv_ref[...] = 1.0 / acc_ref[...]


def _tc_finalize(raw_ref, rinv_ref, out_ref):
    out_ref[...] = jnp.exp(raw_ref[...]) * rinv_ref[...]


def kernel(state_embeddings, observation_embeddings, x_t, unnormalized_emission_matrix):
    del state_embeddings, observation_embeddings
    ut = unnormalized_emission_matrix.T
    x_i32 = x_t.astype(jnp.int32)
    pen = jnp.asarray(_PEN_TABLE)

    mesh = plsc.VectorSubcoreMesh(
        core_axis_name="c", subcore_axis_name="s", num_cores=NC, num_subcores=NS
    )
    raw = pl.kernel(
        _sc_gather,
        out_type=jax.ShapeDtypeStruct((B, NUM_STATE), jnp.float32),
        mesh=mesh,
        scratch_types=[
            pltpu.VMEM((BPW,), jnp.int32),
            pltpu.VMEM((BPW,), jnp.int32),
            pltpu.VMEM((BPW,), jnp.int32),
            pltpu.VMEM((BPW, NUM_STATE), jnp.float32),
            pltpu.VMEM_SHARED((2 * CHUNK, NUM_STATE), jnp.float32),
            pltpu.SemaphoreType.DMA,
            pltpu.SemaphoreType.DMA,
            pltpu.SemaphoreType.DMA,
        ],
    )(ut, x_i32, pen)

    rinv = pl.pallas_call(
        _tc_sumexp,
        grid=(NRB,),
        in_specs=[pl.BlockSpec((RB, NUM_STATE), lambda i: (i, 0))],
        out_specs=pl.BlockSpec((1, NUM_STATE), lambda i: (0, 0)),
        out_shape=jax.ShapeDtypeStruct((1, NUM_STATE), jnp.float32),
        scratch_shapes=[pltpu.VMEM((1, NUM_STATE), jnp.float32)],
    )(ut)

    return pl.pallas_call(
        _tc_finalize,
        grid=(B // FB,),
        in_specs=[
            pl.BlockSpec((FB, NUM_STATE), lambda i: (i, 0)),
            pl.BlockSpec((1, NUM_STATE), lambda i: (0, 0)),
        ],
        out_specs=pl.BlockSpec((FB, NUM_STATE), lambda i: (i, 0)),
        out_shape=jax.ShapeDtypeStruct((B, NUM_STATE), jnp.float32),
    )(raw, rinv)

# --- scband reference (transcript-rebuilt; emitter-appended) ---
"""Pipeline reference for scband-emission-mat-21680994910756 (READ-ONLY COPY).

The authoritative reference and input builder live on the scoring server;
editing this copy changes nothing except your own understanding.
"""

import jax, jax.numpy as jnp
import numpy as np

NUM_STATE = 128
NUM_OUT = 100000  # len(vocab.c2i) - 1
BATCH = 16384
D_EMB = 64


def setup_inputs(seed: int = 0) -> dict:
    key = jax.random.key(seed)
    k1, k2, k3, k4 = jax.random.split(key, 4)
    state_embeddings = jax.random.normal(k1, (NUM_STATE, D_EMB), dtype=jnp.float32)
    observation_embeddings = jax.random.normal(k2, (NUM_OUT, D_EMB), dtype=jnp.float32)
    x_t = jax.random.randint(k3, (BATCH,), 0, NUM_OUT + 1, dtype=jnp.int64) if jax.config.jax_enable_x64 else jax.random.randint(k3, (BATCH,), 0, NUM_OUT + 1, dtype=jnp.int32)
    # learned parameter of the module (torch.nn.Parameter(torch.randn(num_state, num_out)))
    unnormalized_emission_matrix = jax.random.normal(k4, (NUM_STATE, NUM_OUT), dtype=jnp.float32)
    return {
        "state_embeddings": state_embeddings,
        "observation_embeddings": observation_embeddings,
        "x_t": x_t,
        "unnormalized_emission_matrix": unnormalized_emission_matrix,
    }


def reference(state_embeddings, observation_embeddings, x_t, unnormalized_emission_matrix):
    # emission_matrix: softmax over vocab dim (note: state/observation embeddings are unused, as in the original)
    em = jax.nn.softmax(unnormalized_emission_matrix, axis=1)  # [num_state, num_out]
    dummy_for_pad = jnp.zeros((NUM_STATE, 1), dtype=em.dtype)
    mat = jnp.concatenate([em, dummy_for_pad], axis=-1)  # [num_state, num_out + 1]
    # column gather then transpose: mat[:, x_t].transpose(0, 1)
    gathered = jnp.take(mat, x_t, axis=1)  # [num_state, batch]
    return gathered.T  # [batch, num_state]

if __name__ == "__main__":
    import jax
    _d = setup_inputs()
    print(jax.jit(kernel)(*tuple(_d.values())))

</pallas_src>

<mosaic_0001>
#map = affine_map<(d0, d1) -> (0, 0)>
#map1 = affine_map<(d0, d1) -> (0)>
module attributes {stable_mosaic.version = 14 : i64} {
  func.func @_sc_gather(%arg0: i32, %arg1: i32, %arg2: memref<100000x128xf32, #tpu.memory_space<hbm>>, %arg3: memref<16384xi32, #tpu.memory_space<hbm>>, %arg4: memref<256x128xf32, #tpu.memory_space<hbm>>, %arg5: memref<16384x128xf32, #tpu.memory_space<hbm>>, %arg6: memref<512xi32, #tpu.memory_space<vmem>>, %arg7: memref<512xi32, #tpu.memory_space<vmem>>, %arg8: memref<512xi32, #tpu.memory_space<vmem>>, %arg9: memref<512x128xf32, #tpu.memory_space<vmem>>, %arg10: memref<256x128xf32, #tpu.memory_space<vmem_shared>>, %arg11: memref<!tpu.dma_semaphore, #tpu.memory_space<semaphore_mem>>, %arg12: memref<!tpu.dma_semaphore, #tpu.memory_space<semaphore_mem>>, %arg13: memref<!tpu.dma_semaphore, #tpu.memory_space<semaphore_mem>>) attributes {dimension_semantics = [#tpu.dimension_semantics<core_parallel>, #tpu.dimension_semantics<subcore_parallel>], iteration_bounds = array<i64: 2, 16>, scalar_prefetch = 0 : i64, scratch_operands = 8 : i64, tpu.core_type = #tpu.core_type<sc_vector_subcore>, window_params = [{transform_indices = #map}, {transform_indices = #map1}, {transform_indices = #map}, {transform_indices = #map}]} {
    %mul3A = arith.constant 2 : i32
    %mul3A_0 = arith.muli %arg1, %mul3A : i32
    %add3A = arith.addi %mul3A_0, %arg0 : i32
    %mul3A_1 = arith.constant 512 : i32
    %mul3A_2 = arith.muli %add3A, %mul3A_1 : i32
    %eq3A = arith.constant 0 : i32
    %eq3A_3 = arith.cmpi eq, %arg1, %eq3A : i32
    %convert_element_type3A = arith.extui %eq3A_3 : i1 to i32
    %cond3A = arith.constant 0 : i32
    %cond3A_4 = arith.cmpi ne, %convert_element_type3A, %cond3A : i32
    scf.if %cond3A_4 {
      "tpu.region"() ({
        %run_scoped3A = tpu.sem_alloc : memref<!tpu.dma_semaphore, #tpu.memory_space<semaphore_mem>>
        tpu.enqueue_dma source(%arg4 : memref<256x128xf32, #tpu.memory_space<hbm>>) target(%arg10 : memref<256x128xf32, #tpu.memory_space<vmem_shared>>) target_semaphore(%run_scoped3A : memref<!tpu.dma_semaphore, #tpu.memory_space<semaphore_mem>>)
        tpu.wait_dma2 semaphore(%run_scoped3A : memref<!tpu.dma_semaphore, #tpu.memory_space<semaphore_mem>>) src(%arg4 : memref<256x128xf32, #tpu.memory_space<hbm>>) dst(%arg10 : memref<256x128xf32, #tpu.memory_space<vmem_shared>>)
        tpu.yield
      }) : () -> ()
    } else {
    }
    "tpu.region"() ({
      %run_scoped3A = tpu.sem_alloc : memref<!tpu.dma_semaphore, #tpu.memory_space<semaphore_mem>>
      %dma_start3A_224 = tpu.memref_slice %arg3[%mul3A_2] : memref<16384xi32, #tpu.memory_space<hbm>> -> memref<512xi32, #tpu.memory_space<hbm>>
      %dma_start3A_225 = tpu.memref_slice %arg3[%mul3A_2] : memref<16384xi32, #tpu.memory_space<hbm>> -> memref<512xi32, #tpu.memory_space<hbm>>
      tpu.enqueue_dma source(%dma_start3A_225 : memref<512xi32, #tpu.memory_space<hbm>>) target(%arg6 : memref<512xi32, #tpu.memory_space<vmem>>) target_semaphore(%run_scoped3A : memref<!tpu.dma_semaphore, #tpu.memory_space<semaphore_mem>>)
      %dma_wait3A_226 = tpu.memref_slice %arg3[%mul3A_2] : memref<16384xi32, #tpu.memory_space<hbm>> -> memref<512xi32, #tpu.memory_space<hbm>>
      %dma_wait3A_227 = tpu.memref_slice %arg3[%mul3A_2] : memref<16384xi32, #tpu.memory_space<hbm>> -> memref<512xi32, #tpu.memory_space<hbm>>
      tpu.wait_dma2 semaphore(%run_scoped3A : memref<!tpu.dma_semaphore, #tpu.memory_space<semaphore_mem>>) src(%dma_wait3A_227 : memref<512xi32, #tpu.memory_space<hbm>>) dst(%arg6 : memref<512xi32, #tpu.memory_space<vmem>>)
      tpu.yield
    }) : () -> ()
    %iota3A = tpu.iota {dimensions = array<i32: 0>} : vector<16xi32>
    %scan3A = arith.constant 0 : i32
    %scan3A_5 = arith.constant 0 : i32
    %scan3A_6 = arith.constant 32 : i32
    %scan3A_7 = arith.addi %scan3A_5, %scan3A_6 : i32
    %scan3A_8 = arith.constant 1 : i32
    scf.for %scan3A_224 = %scan3A_5 to %scan3A_7 step %scan3A_8  : i32 {
      %mul3A_225 = arith.constant 16 : i32
      %mul3A_226 = arith.muli %scan3A_224, %mul3A_225 : i32
      %get3A = arith.index_cast %mul3A_226 : i32 to index
      %get3A_227 = tpu.vector_load %arg6[%get3A] {strides = array<i32>} : memref<512xi32, #tpu.memory_space<vmem>>, vector<16xi32>,
      %get3A_228 = vector.shape_cast %get3A_227 : vector<16xi32> to vector<16xi32>
      %min3A = arith.constant 99999 : i32
      %min3A_229 = vector.broadcast %min3A : i32 to vector<16xi32>
      %min3A_230 = arith.minsi %get3A_228, %min3A_229 : vector<16xi32>
      %swap3A = arith.index_cast %mul3A_226 : i32 to index
      %swap3A_231 = tpu.vector_load %arg7[%swap3A] {strides = array<i32>} : memref<512xi32, #tpu.memory_space<vmem>>, vector<16xi32>,
      %swap3A_232 = vector.shape_cast %swap3A_231 : vector<16xi32> to vector<16xi32>
      %swap3A_233 = vector.shape_cast %min3A_230 : vector<16xi32> to vector<16xi32>
      tpu.vector_store %arg7[%swap3A], %swap3A_233 {strides = array<i32>} : memref<512xi32, #tpu.memory_space<vmem>>, vector<16xi32>,
      %mul3A_234 = arith.constant 16 : i32
      %mul3A_235 = arith.muli %scan3A_224, %mul3A_234 : i32
      %jit3A = arith.constant 128 : i32
      %eq3A_236 = arith.constant 0 : i32
      %eq3A_237 = arith.cmpi eq, %jit3A, %eq3A_236 : i32
      %jit3A_238 = arith.constant 1 : i32
      %select_n3A = arith.select %eq3A_237, %jit3A_238, %jit3A : i32
      %rem3A = arith.remsi %mul3A_235, %select_n3A : i32
      %ne3A = arith.constant 0 : i32
      %ne3A_239 = arith.cmpi ne, %rem3A, %ne3A : i32
      %lt3A = arith.constant 0 : i32
      %lt3A_240 = arith.cmpi slt, %rem3A, %lt3A : i32
      %lt3A_241 = arith.constant 0 : i32
      %lt3A_242 = arith.cmpi slt, %select_n3A, %lt3A_241 : i32
      %ne3A_243 = arith.xori %lt3A_240, %lt3A_242 : i1
      %and3A = arith.andi %ne3A_243, %ne3A_239 : i1
      %add3A_244 = arith.addi %rem3A, %select_n3A : i32
      %select_n3A_245 = arith.select %and3A, %add3A_244, %rem3A : i32
      %add3A_246 = vector.broadcast %select_n3A_245 : i32 to vector<16xi32>
      %add3A_247 = arith.addi %add3A_246, %iota3A : vector<16xi32>
      %ge3A = arith.constant 100000 : i32
      %ge3A_248 = vector.broadcast %ge3A : i32 to vector<16xi32>
      %ge3A_249 = arith.cmpi sge, %get3A_228, %ge3A_248 : vector<16xi32>
      %jit3A_250 = arith.constant 128 : i32
      %jit3A_251 = arith.constant 0 : i32
      %broadcast_in_dim3A = vector.broadcast %jit3A_250 : i32 to vector<16xi32>
      %broadcast_in_dim3A_252 = vector.broadcast %jit3A_251 : i32 to vector<16xi32>
      %select_n3A_253 = arith.select %ge3A_249, %broadcast_in_dim3A, %broadcast_in_dim3A_252 : vector<16xi1>, vector<16xi32>
      %add3A_254 = arith.addi %select_n3A_253, %add3A_247 : vector<16xi32>
      %swap3A_255 = arith.index_cast %mul3A_226 : i32 to index
      %swap3A_256 = tpu.vector_load %arg8[%swap3A_255] {strides = array<i32>} : memref<512xi32, #tpu.memory_space<vmem>>, vector<16xi32>,
      %swap3A_257 = vector.shape_cast %swap3A_256 : vector<16xi32> to vector<16xi32>
      %swap3A_258 = vector.shape_cast %add3A_254 : vector<16xi32> to vector<16xi32>
      tpu.vector_store %arg8[%swap3A_255], %swap3A_258 {strides = array<i32>} : memref<512xi32, #tpu.memory_space<vmem>>, vector<16xi32>,
    }
    %scan3A_9 = arith.constant 32 : i32
    %dma_start3A = arith.constant 0 : i32
    %dma_start3A_10 = arith.constant 0 : i32
    %dma_start3A_11 = tpu.memref_slice %arg9[%dma_start3A, %dma_start3A_10] : memref<512x128xf32, #tpu.memory_space<vmem>> -> memref<128x128xf32, #tpu.memory_space<vmem>>
    %dma_start3A_12 = arith.constant 0 : i32
    %dma_start3A_13 = tpu.memref_slice %arg7[%dma_start3A_12] : memref<512xi32, #tpu.memory_space<vmem>> -> memref<128xi32, #tpu.memory_space<vmem>>
    %dma_start3A_14 = arith.constant 0 : i32
    %dma_start3A_15 = arith.constant 0 : i32
    %dma_start3A_16 = tpu.memref_slice %arg2[%dma_start3A_14, %dma_start3A_15] : memref<100000x128xf32, #tpu.memory_space<hbm>> -> memref<100000x128xf32, #tpu.memory_space<hbm>>
    tpu.enqueue_indirect_dma source(%dma_start3A_16 : memref<100000x128xf32, #tpu.memory_space<hbm>>) target(%dma_start3A_11 : memref<128x128xf32, #tpu.memory_space<vmem>>) offsets(%dma_start3A_13 : memref<128xi32, #tpu.memory_space<vmem>>) semaphore(%arg11 : memref<!tpu.dma_semaphore, #tpu.memory_space<semaphore_mem>>)
    %dma_start3A_17 = arith.constant 128 : i32
    %dma_start3A_18 = arith.constant 0 : i32
    %dma_start3A_19 = tpu.memref_slice %arg9[%dma_start3A_17, %dma_start3A_18] : memref<512x128xf32, #tpu.memory_space<vmem>> -> memref<128x128xf32, #tpu.memory_space<vmem>>
    %dma_start3A_20 = arith.constant 128 : i32
    %dma_start3A_21 = tpu.memref_slice %arg7[%dma_start3A_20] : memref<512xi32, #tpu.memory_space<vmem>> -> memref<128xi32, #tpu.memory_space<vmem>>
    %dma_start3A_22 = arith.constant 0 : i32
    %dma_start3A_23 = arith.constant 0 : i32
    %dma_start3A_24 = tpu.memref_slice %arg2[%dma_start3A_22, %dma_start3A_23] : memref<100000x128xf32, #tpu.memory_space<hbm>> -> memref<100000x128xf32, #tpu.memory_space<hbm>>
    tpu.enqueue_indirect_dma source(%dma_start3A_24 : memref<100000x128xf32, #tpu.memory_space<hbm>>) target(%dma_start3A_19 : memref<128x128xf32, #tpu.memory_space<vmem>>) offsets(%dma_start3A_21 : memref<128xi32, #tpu.memory_space<vmem>>) semaphore(%arg11 : memref<!tpu.dma_semaphore, #tpu.memory_space<semaphore_mem>>)
    %dma_start3A_25 = arith.constant 256 : i32
    %dma_start3A_26 = arith.constant 0 : i32
    %dma_start3A_27 = tpu.memref_slice %arg9[%dma_start3A_25, %dma_start3A_26] : memref<512x128xf32, #tpu.memory_space<vmem>> -> memref<128x128xf32, #tpu.memory_space<vmem>>
    %dma_start3A_28 = arith.constant 256 : i32
    %dma_start3A_29 = tpu.memref_slice %arg7[%dma_start3A_28] : memref<512xi32, #tpu.memory_space<vmem>> -> memref<128xi32, #tpu.memory_space<vmem>>
    %dma_start3A_30 = arith.constant 0 : i32
    %dma_start3A_31 = arith.constant 0 : i32
    %dma_start3A_32 = tpu.memref_slice %arg2[%dma_start3A_30, %dma_start3A_31] : memref<100000x128xf32, #tpu.memory_space<hbm>> -> memref<100000x128xf32, #tpu.memory_space<hbm>>
    tpu.enqueue_indirect_dma source(%dma_start3A_32 : memref<100000x128xf32, #tpu.memory_space<hbm>>) target(%dma_start3A_27 : memref<128x128xf32, #tpu.memory_space<vmem>>) offsets(%dma_start3A_29 : memref<128xi32, #tpu.memory_space<vmem>>) semaphore(%arg11 : memref<!tpu.dma_semaphore, #tpu.memory_space<semaphore_mem>>)
    %dma_start3A_33 = arith.constant 384 : i32
    %dma_start3A_34 = arith.constant 0 : i32
    %dma_start3A_35 = tpu.memref_slice %arg9[%dma_start3A_33, %dma_start3A_34] : memref<512x128xf32, #tpu.memory_space<vmem>> -> memref<128x128xf32, #tpu.memory_space<vmem>>
    %dma_start3A_36 = arith.constant 384 : i32
    %dma_start3A_37 = tpu.memref_slice %arg7[%dma_start3A_36] : memref<512xi32, #tpu.memory_space<vmem>> -> memref<128xi32, #tpu.memory_space<vmem>>
    %dma_start3A_38 = arith.constant 0 : i32
    %dma_start3A_39 = arith.constant 0 : i32
    %dma_start3A_40 = tpu.memref_slice %arg2[%dma_start3A_38, %dma_start3A_39] : memref<100000x128xf32, #tpu.memory_space<hbm>> -> memref<100000x128xf32, #tpu.memory_space<hbm>>
    tpu.enqueue_indirect_dma source(%dma_start3A_40 : memref<100000x128xf32, #tpu.memory_space<hbm>>) target(%dma_start3A_35 : memref<128x128xf32, #tpu.memory_space<vmem>>) offsets(%dma_start3A_37 : memref<128xi32, #tpu.memory_space<vmem>>) semaphore(%arg11 : memref<!tpu.dma_semaphore, #tpu.memory_space<semaphore_mem>>)
    %barrier3A = arith.constant 0 : index
    tpu.barrier barrier_id(%barrier3A)
    %dma_wait3A = arith.constant 0 : i32
    %dma_wait3A_41 = arith.constant 0 : i32
    %dma_wait3A_42 = tpu.memref_slice %arg9[%dma_wait3A, %dma_wait3A_41] : memref<512x128xf32, #tpu.memory_space<vmem>> -> memref<128x128xf32, #tpu.memory_space<vmem>>
    %dma_wait3A_43 = arith.constant 0 : i32
    %dma_wait3A_44 = tpu.memref_slice %arg7[%dma_wait3A_43] : memref<512xi32, #tpu.memory_space<vmem>> -> memref<128xi32, #tpu.memory_space<vmem>>
    %dma_wait3A_45 = arith.constant 0 : i32
    %dma_wait3A_46 = arith.constant 0 : i32
    %dma_wait3A_47 = tpu.memref_slice %arg2[%dma_wait3A_45, %dma_wait3A_46] : memref<100000x128xf32, #tpu.memory_space<hbm>> -> memref<100000x128xf32, #tpu.memory_space<hbm>>
    tpu.wait_indirect_dma semaphore(%arg11 : memref<!tpu.dma_semaphore, #tpu.memory_space<semaphore_mem>>) src(%dma_wait3A_47 : memref<100000x128xf32, #tpu.memory_space<hbm>>) dst(%dma_wait3A_42 : memref<128x128xf32, #tpu.memory_space<vmem>>)
    %dma_start3A_48 = arith.constant 0 : i32
    %dma_start3A_49 = arith.constant 0 : i32
    %dma_start3A_50 = tpu.memref_slice %arg9[%dma_start3A_48, %dma_start3A_49] : memref<512x128xf32, #tpu.memory_space<vmem>> -> memref<128x128xf32, #tpu.memory_space<vmem>>
    %dma_start3A_51 = arith.constant 0 : i32
    %dma_start3A_52 = tpu.memref_slice %arg8[%dma_start3A_51] : memref<512xi32, #tpu.memory_space<vmem>> -> memref<128xi32, #tpu.memory_space<vmem>>
    %dma_start3A_53 = arith.constant 0 : i32
    %dma_start3A_54 = arith.constant 0 : i32
    %dma_start3A_55 = tpu.memref_slice %arg10[%dma_start3A_53, %dma_start3A_54] : memref<256x128xf32, #tpu.memory_space<vmem_shared>> -> memref<256x128xf32, #tpu.memory_space<vmem_shared>>
    tpu.enqueue_indirect_dma source(%dma_start3A_55 : memref<256x128xf32, #tpu.memory_space<vmem_shared>>) target(%dma_start3A_50 : memref<128x128xf32, #tpu.memory_space<vmem>>) offsets(%dma_start3A_52 : memref<128xi32, #tpu.memory_space<vmem>>) semaphore(%arg12 : memref<!tpu.dma_semaphore, #tpu.memory_space<semaphore_mem>>) {add = true}
    %dma_wait3A_56 = arith.constant 128 : i32
    %dma_wait3A_57 = arith.constant 0 : i32
    %dma_wait3A_58 = tpu.memref_slice %arg9[%dma_wait3A_56, %dma_wait3A_57] : memref<512x128xf32, #tpu.memory_space<vmem>> -> memref<128x128xf32, #tpu.memory_space<vmem>>
    %dma_wait3A_59 = arith.constant 128 : i32
    %dma_wait3A_60 = tpu.memref_slice %arg7[%dma_wait3A_59] : memref<512xi32, #tpu.memory_space<vmem>> -> memref<128xi32, #tpu.memory_space<vmem>>
    %dma_wait3A_61 = arith.constant 0 : i32
    %dma_wait3A_62 = arith.constant 0 : i32
    %dma_wait3A_63 = tpu.memref_slice %arg2[%dma_wait3A_61, %dma_wait3A_62] : memref<100000x128xf32, #tpu.memory_space<hbm>> -> memref<100000x128xf32, #tpu.memory_space<hbm>>
    tpu.wait_indirect_dma semaphore(%arg11 : memref<!tpu.dma_semaphore, #tpu.memory_space<semaphore_mem>>) src(%dma_wait3A_63 : memref<100000x128xf32, #tpu.memory_space<hbm>>) dst(%dma_wait3A_58 : memref<128x128xf32, #tpu.memory_space<vmem>>)
    %dma_start3A_64 = arith.constant 128 : i32
    %dma_start3A_65 = arith.constant 0 : i32
    %dma_start3A_66 = tpu.memref_slice %arg9[%dma_start3A_64, %dma_start3A_65] : memref<512x128xf32, #tpu.memory_space<vmem>> -> memref<128x128xf32, #tpu.memory_space<vmem>>
    %dma_start3A_67 = arith.constant 128 : i32
    %dma_start3A_68 = tpu.memref_slice %arg8[%dma_start3A_67] : memref<512xi32, #tpu.memory_space<vmem>> -> memref<128xi32, #tpu.memory_space<vmem>>
    %dma_start3A_69 = arith.constant 0 : i32
    %dma_start3A_70 = arith.constant 0 : i32
    %dma_start3A_71 = tpu.memref_slice %arg10[%dma_start3A_69, %dma_start3A_70] : memref<256x128xf32, #tpu.memory_space<vmem_shared>> -> memref<256x128xf32, #tpu.memory_space<vmem_shared>>
    tpu.enqueue_indirect_dma source(%dma_start3A_71 : memref<256x128xf32, #tpu.memory_space<vmem_shared>>) target(%dma_start3A_66 : memref<128x128xf32, #tpu.memory_space<vmem>>) offsets(%dma_start3A_68 : memref<128xi32, #tpu.memory_space<vmem>>) semaphore(%arg12 : memref<!tpu.dma_semaphore, #tpu.memory_space<semaphore_mem>>) {add = true}
    %dma_wait3A_72 = arith.constant 256 : i32
    %dma_wait3A_73 = arith.constant 0 : i32
    %dma_wait3A_74 = tpu.memref_slice %arg9[%dma_wait3A_72, %dma_wait3A_73] : memref<512x128xf32, #tpu.memory_space<vmem>> -> memref<128x128xf32, #tpu.memory_space<vmem>>
    %dma_wait3A_75 = arith.constant 256 : i32
    %dma_wait3A_76 = tpu.memref_slice %arg7[%dma_wait3A_75] : memref<512xi32, #tpu.memory_space<vmem>> -> memref<128xi32, #tpu.memory_space<vmem>>
    %dma_wait3A_77 = arith.constant 0 : i32
    %dma_wait3A_78 = arith.constant 0 : i32
    %dma_wait3A_79 = tpu.memref_slice %arg2[%dma_wait3A_77, %dma_wait3A_78] : memref<100000x128xf32, #tpu.memory_space<hbm>> -> memref<100000x128xf32, #tpu.memory_space<hbm>>
    tpu.wait_indirect_dma semaphore(%arg11 : memref<!tpu.dma_semaphore, #tpu.memory_space<semaphore_mem>>) src(%dma_wait3A_79 : memref<100000x128xf32, #tpu.memory_space<hbm>>) dst(%dma_wait3A_74 : memref<128x128xf32, #tpu.memory_space<vmem>>)
    %dma_start3A_80 = arith.constant 256 : i32
    %dma_start3A_81 = arith.constant 0 : i32
    %dma_start3A_82 = tpu.memref_slice %arg9[%dma_start3A_80, %dma_start3A_81] : memref<512x128xf32, #tpu.memory_space<vmem>> -> memref<128x128xf32, #tpu.memory_space<vmem>>
    %dma_start3A_83 = arith.constant 256 : i32
    %dma_start3A_84 = tpu.memref_slice %arg8[%dma_start3A_83] : memref<512xi32, #tpu.memory_space<vmem>> -> memref<128xi32, #tpu.memory_space<vmem>>
    %dma_start3A_85 = arith.constant 0 : i32
    %dma_start3A_86 = arith.constant 0 : i32
    %dma_start3A_87 = tpu.memref_slice %arg10[%dma_start3A_85, %dma_start3A_86] : memref<256x128xf32, #tpu.memory_space<vmem_shared>> -> memref<256x128xf32, #tpu.memory_space<vmem_shared>>
    tpu.enqueue_indirect_dma source(%dma_start3A_87 : memref<256x128xf32, #tpu.memory_space<vmem_shared>>) target(%dma_start3A_82 : memref<128x128xf32, #tpu.memory_space<vmem>>) offsets(%dma_start3A_84 : memref<128xi32, #tpu.memory_space<vmem>>) semaphore(%arg12 : memref<!tpu.dma_semaphore, #tpu.memory_space<semaphore_mem>>) {add = true}
    %dma_wait3A_88 = arith.constant 384 : i32
    %dma_wait3A_89 = arith.constant 0 : i32
    %dma_wait3A_90 = tpu.memref_slice %arg9[%dma_wait3A_88, %dma_wait3A_89] : memref<512x128xf32, #tpu.memory_space<vmem>> -> memref<128x128xf32, #tpu.memory_space<vmem>>
    %dma_wait3A_91 = arith.constant 384 : i32
    %dma_wait3A_92 = tpu.memref_slice %arg7[%dma_wait3A_91] : memref<512xi32, #tpu.memory_space<vmem>> -> memref<128xi32, #tpu.memory_space<vmem>>
    %dma_wait3A_93 = arith.constant 0 : i32
    %dma_wait3A_94 = arith.constant 0 : i32
    %dma_wait3A_95 = tpu.memref_slice %arg2[%dma_wait3A_93, %dma_wait3A_94] : memref<100000x128xf32, #tpu.memory_space<hbm>> -> memref<100000x128xf32, #tpu.memory_space<hbm>>
    tpu.wait_indirect_dma semaphore(%arg11 : memref<!tpu.dma_semaphore, #tpu.memory_space<semaphore_mem>>) src(%dma_wait3A_95 : memref<100000x128xf32, #tpu.memory_space<hbm>>) dst(%dma_wait3A_90 : memref<128x128xf32, #tpu.memory_space<vmem>>)
    %dma_start3A_96 = arith.constant 384 : i32
    %dma_start3A_97 = arith.constant 0 : i32
    %dma_start3A_98 = tpu.memref_slice %arg9[%dma_start3A_96, %dma_start3A_97] : memref<512x128xf32, #tpu.memory_space<vmem>> -> memref<128x128xf32, #tpu.memory_space<vmem>>
    %dma_start3A_99 = arith.constant 384 : i32
    %dma_start3A_100 = tpu.memref_slice %arg8[%dma_start3A_99] : memref<512xi32, #tpu.memory_space<vmem>> -> memref<128xi32, #tpu.memory_space<vmem>>
    %dma_start3A_101 = arith.constant 0 : i32
    %dma_start3A_102 = arith.constant 0 : i32
    %dma_start3A_103 = tpu.memref_slice %arg10[%dma_start3A_101, %dma_start3A_102] : memref<256x128xf32, #tpu.memory_space<vmem_shared>> -> memref<256x128xf32, #tpu.memory_space<vmem_shared>>
    tpu.enqueue_indirect_dma source(%dma_start3A_103 : memref<256x128xf32, #tpu.memory_space<vmem_shared>>) target(%dma_start3A_98 : memref<128x128xf32, #tpu.memory_space<vmem>>) offsets(%dma_start3A_100 : memref<128xi32, #tpu.memory_space<vmem>>) semaphore(%arg12 : memref<!tpu.dma_semaphore, #tpu.memory_space<semaphore_mem>>) {add = true}
    %dma_wait3A_104 = arith.constant 0 : i32
    %dma_wait3A_105 = arith.constant 0 : i32
    %dma_wait3A_106 = tpu.memref_slice %arg9[%dma_wait3A_104, %dma_wait3A_105] : memref<512x128xf32, #tpu.memory_space<vmem>> -> memref<128x128xf32, #tpu.memory_space<vmem>>
    %dma_wait3A_107 = arith.constant 0 : i32
    %dma_wait3A_108 = tpu.memref_slice %arg8[%dma_wait3A_107] : memref<512xi32, #tpu.memory_space<vmem>> -> memref<128xi32, #tpu.memory_space<vmem>>
    %dma_wait3A_109 = arith.constant 0 : i32
    %dma_wait3A_110 = arith.constant 0 : i32
    %dma_wait3A_111 = tpu.memref_slice %arg10[%dma_wait3A_109, %dma_wait3A_110] : memref<256x128xf32, #tpu.memory_space<vmem_shared>> -> memref<256x128xf32, #tpu.memory_space<vmem_shared>>
    tpu.wait_indirect_dma semaphore(%arg12 : memref<!tpu.dma_semaphore, #tpu.memory_space<semaphore_mem>>) src(%dma_wait3A_111 : memref<256x128xf32, #tpu.memory_space<vmem_shared>>) dst(%dma_wait3A_106 : memref<128x128xf32, #tpu.memory_space<vmem>>)
    %add3A_112 = arith.constant 0 : i32
    %add3A_113 = arith.addi %mul3A_2, %add3A_112 : i32
    %dma_start3A_114 = arith.constant 0 : i32
    %dma_start3A_115 = arith.constant 0 : i32
    %dma_start3A_116 = tpu.memref_slice %arg9[%dma_start3A_114, %dma_start3A_115] : memref<512x128xf32, #tpu.memory_space<vmem>> -> memref<128x128xf32, #tpu.memory_space<vmem>>
    %dma_start3A_117 = arith.constant 0 : i32
    %dma_start3A_118 = tpu.memref_slice %arg5[%add3A_113, %dma_start3A_117] : memref<16384x128xf32, #tpu.memory_space<hbm>> -> memref<128x128xf32, #tpu.memory_space<hbm>>
    %dma_start3A_119 = arith.constant 0 : i32
    %dma_start3A_120 = tpu.memref_slice %arg5[%add3A_113, %dma_start3A_119] : memref<16384x128xf32, #tpu.memory_space<hbm>> -> memref<128x128xf32, #tpu.memory_space<hbm>>
    %dma_start3A_121 = arith.constant 0 : i32
    %dma_start3A_122 = arith.constant 0 : i32
    %dma_start3A_123 = tpu.memref_slice %arg9[%dma_start3A_121, %dma_start3A_122] : memref<512x128xf32, #tpu.memory_space<vmem>> -> memref<128x128xf32, #tpu.memory_space<vmem>>
    tpu.enqueue_dma source(%dma_start3A_123 : memref<128x128xf32, #tpu.memory_space<vmem>>) target(%dma_start3A_120 : memref<128x128xf32, #tpu.memory_space<hbm>>) target_semaphore(%arg13 : memref<!tpu.dma_semaphore, #tpu.memory_space<semaphore_mem>>)
    %dma_wait3A_124 = arith.constant 128 : i32
    %dma_wait3A_125 = arith.constant 0 : i32
    %dma_wait3A_126 = tpu.memref_slice %arg9[%dma_wait3A_124, %dma_wait3A_125] : memref<512x128xf32, #tpu.memory_space<vmem>> -> memref<128x128xf32, #tpu.memory_space<vmem>>
    %dma_wait3A_127 = arith.constant 128 : i32
    %dma_wait3A_128 = tpu.memref_slice %arg8[%dma_wait3A_127] : memref<512xi32, #tpu.memory_space<vmem>> -> memref<128xi32, #tpu.memory_space<vmem>>
    %dma_wait3A_129 = arith.constant 0 : i32
    %dma_wait3A_130 = arith.constant 0 : i32
    %dma_wait3A_131 = tpu.memref_slice %arg10[%dma_wait3A_129, %dma_wait3A_130] : memref<256x128xf32, #tpu.memory_space<vmem_shared>> -> memref<256x128xf32, #tpu.memory_space<vmem_shared>>
    tpu.wait_indirect_dma semaphore(%arg12 : memref<!tpu.dma_semaphore, #tpu.memory_space<semaphore_mem>>) src(%dma_wait3A_131 : memref<256x128xf32, #tpu.memory_space<vmem_shared>>) dst(%dma_wait3A_126 : memref<128x128xf32, #tpu.memory_space<vmem>>)
    %add3A_132 = arith.constant 128 : i32
    %add3A_133 = arith.addi %mul3A_2, %add3A_132 : i32
    %dma_start3A_134 = arith.constant 128 : i32
    %dma_start3A_135 = arith.constant 0 : i32
    %dma_start3A_136 = tpu.memref_slice %arg9[%dma_start3A_134, %dma_start3A_135] : memref<512x128xf32, #tpu.memory_space<vmem>> -> memref<128x128xf32, #tpu.memory_space<vmem>>
    %dma_start3A_137 = arith.constant 0 : i32
    %dma_start3A_138 = tpu.memref_slice %arg5[%add3A_133, %dma_start3A_137] : memref<16384x128xf32, #tpu.memory_space<hbm>> -> memref<128x128xf32, #tpu.memory_space<hbm>>
    %dma_start3A_139 = arith.constant 0 : i32
    %dma_start3A_140 = tpu.memref_slice %arg5[%add3A_133, %dma_start3A_139] : memref<16384x128xf32, #tpu.memory_space<hbm>> -> memref<128x128xf32, #tpu.memory_space<hbm>>
    %dma_start3A_141 = arith.constant 128 : i32
    %dma_start3A_142 = arith.constant 0 : i32
    %dma_start3A_143 = tpu.memref_slice %arg9[%dma_start3A_141, %dma_start3A_142] : memref<512x128xf32, #tpu.memory_space<vmem>> -> memref<128x128xf32, #tpu.memory_space<vmem>>
    tpu.enqueue_dma source(%dma_start3A_143 : memref<128x128xf32, #tpu.memory_space<vmem>>) target(%dma_start3A_140 : memref<128x128xf32, #tpu.memory_space<hbm>>) target_semaphore(%arg13 : memref<!tpu.dma_semaphore, #tpu.memory_space<semaphore_mem>>)
    %dma_wait3A_144 = arith.constant 256 : i32
    %dma_wait3A_145 = arith.constant 0 : i32
    %dma_wait3A_146 = tpu.memref_slice %arg9[%dma_wait3A_144, %dma_wait3A_145] : memref<512x128xf32, #tpu.memory_space<vmem>> -> memref<128x128xf32, #tpu.memory_space<vmem>>
    %dma_wait3A_147 = arith.constant 256 : i32
    %dma_wait3A_148 = tpu.memref_slice %arg8[%dma_wait3A_147] : memref<512xi32, #tpu.memory_space<vmem>> -> memref<128xi32, #tpu.memory_space<vmem>>
    %dma_wait3A_149 = arith.constant 0 : i32
    %dma_wait3A_150 = arith.constant 0 : i32
    %dma_wait3A_151 = tpu.memref_slice %arg10[%dma_wait3A_149, %dma_wait3A_150] : memref<256x128xf32, #tpu.memory_space<vmem_shared>> -> memref<256x128xf32, #tpu.memory_space<vmem_shared>>
    tpu.wait_indirect_dma semaphore(%arg12 : memref<!tpu.dma_semaphore, #tpu.memory_space<semaphore_mem>>) src(%dma_wait3A_151 : memref<256x128xf32, #tpu.memory_space<vmem_shared>>) dst(%dma_wait3A_146 : memref<128x128xf32, #tpu.memory_space<vmem>>)
    %add3A_152 = arith.constant 256 : i32
    %add3A_153 = arith.addi %mul3A_2, %add3A_152 : i32
    %dma_start3A_154 = arith.constant 256 : i32
    %dma_start3A_155 = arith.constant 0 : i32
    %dma_start3A_156 = tpu.memref_slice %arg9[%dma_start3A_154, %dma_start3A_155] : memref<512x128xf32, #tpu.memory_space<vmem>> -> memref<128x128xf32, #tpu.memory_space<vmem>>
    %dma_start3A_157 = arith.constant 0 : i32
    %dma_start3A_158 = tpu.memref_slice %arg5[%add3A_153, %dma_start3A_157] : memref<16384x128xf32, #tpu.memory_space<hbm>> -> memref<128x128xf32, #tpu.memory_space<hbm>>
    %dma_start3A_159 = arith.constant 0 : i32
    %dma_start3A_160 = tpu.memref_slice %arg5[%add3A_153, %dma_start3A_159] : memref<16384x128xf32, #tpu.memory_space<hbm>> -> memref<128x128xf32, #tpu.memory_space<hbm>>
    %dma_start3A_161 = arith.constant 256 : i32
    %dma_start3A_162 = arith.constant 0 : i32
    %dma_start3A_163 = tpu.memref_slice %arg9[%dma_start3A_161, %dma_start3A_162] : memref<512x128xf32, #tpu.memory_space<vmem>> -> memref<128x128xf32, #tpu.memory_space<vmem>>
    tpu.enqueue_dma source(%dma_start3A_163 : memref<128x128xf32, #tpu.memory_space<vmem>>) target(%dma_start3A_160 : memref<128x128xf32, #tpu.memory_space<hbm>>) target_semaphore(%arg13 : memref<!tpu.dma_semaphore, #tpu.memory_space<semaphore_mem>>)
    %dma_wait3A_164 = arith.constant 384 : i32
    %dma_wait3A_165 = arith.constant 0 : i32
    %dma_wait3A_166 = tpu.memref_slice %arg9[%dma_wait3A_164, %dma_wait3A_165] : memref<512x128xf32, #tpu.memory_space<vmem>> -> memref<128x128xf32, #tpu.memory_space<vmem>>
    %dma_wait3A_167 = arith.constant 384 : i32
    %dma_wait3A_168 = tpu.memref_slice %arg8[%dma_wait3A_167] : memref<512xi32, #tpu.memory_space<vmem>> -> memref<128xi32, #tpu.memory_space<vmem>>
    %dma_wait3A_169 = arith.constant 0 : i32
    %dma_wait3A_170 = arith.constant 0 : i32
    %dma_wait3A_171 = tpu.memref_slice %arg10[%dma_wait3A_169, %dma_wait3A_170] : memref<256x128xf32, #tpu.memory_space<vmem_shared>> -> memref<256x128xf32, #tpu.memory_space<vmem_shared>>
    tpu.wait_indirect_dma semaphore(%arg12 : memref<!tpu.dma_semaphore, #tpu.memory_space<semaphore_mem>>) src(%dma_wait3A_171 : memref<256x128xf32, #tpu.memory_space<vmem_shared>>) dst(%dma_wait3A_166 : memref<128x128xf32, #tpu.memory_space<vmem>>)
    %add3A_172 = arith.constant 384 : i32
    %add3A_173 = arith.addi %mul3A_2, %add3A_172 : i32
    %dma_start3A_174 = arith.constant 384 : i32
    %dma_start3A_175 = arith.constant 0 : i32
    %dma_start3A_176 = tpu.memref_slice %arg9[%dma_start3A_174, %dma_start3A_175] : memref<512x128xf32, #tpu.memory_space<vmem>> -> memref<128x128xf32, #tpu.memory_space<vmem>>
    %dma_start3A_177 = arith.constant 0 : i32
    %dma_start3A_178 = tpu.memref_slice %arg5[%add3A_173, %dma_start3A_177] : memref<16384x128xf32, #tpu.memory_space<hbm>> -> memref<128x128xf32, #tpu.memory_space<hbm>>
    %dma_start3A_179 = arith.constant 0 : i32
    %dma_start3A_180 = tpu.memref_slice %arg5[%add3A_173, %dma_start3A_179] : memref<16384x128xf32, #tpu.memory_space<hbm>> -> memref<128x128xf32, #tpu.memory_space<hbm>>
    %dma_start3A_181 = arith.constant 384 : i32
    %dma_start3A_182 = arith.constant 0 : i32
    %dma_start3A_183 = tpu.memref_slice %arg9[%dma_start3A_181, %dma_start3A_182] : memref<512x128xf32, #tpu.memory_space<vmem>> -> memref<128x128xf32, #tpu.memory_space<vmem>>
    tpu.enqueue_dma source(%dma_start3A_183 : memref<128x128xf32, #tpu.memory_space<vmem>>) target(%dma_start3A_180 : memref<128x128xf32, #tpu.memory_space<hbm>>) target_semaphore(%arg13 : memref<!tpu.dma_semaphore, #tpu.memory_space<semaphore_mem>>)
    %dma_wait3A_184 = arith.constant 0 : i32
    %dma_wait3A_185 = arith.constant 0 : i32
    %dma_wait3A_186 = tpu.memref_slice %arg9[%dma_wait3A_184, %dma_wait3A_185] : memref<512x128xf32, #tpu.memory_space<vmem>> -> memref<128x128xf32, #tpu.memory_space<vmem>>
    %dma_wait3A_187 = arith.constant 0 : i32
    %dma_wait3A_188 = tpu.memref_slice %arg5[%add3A_113, %dma_wait3A_187] : memref<16384x128xf32, #tpu.memory_space<hbm>> -> memref<128x128xf32, #tpu.memory_space<hbm>>
    %dma_wait3A_189 = arith.constant 0 : i32
    %dma_wait3A_190 = tpu.memref_slice %arg5[%add3A_113, %dma_wait3A_189] : memref<16384x128xf32, #tpu.memory_space<hbm>> -> memref<128x128xf32, #tpu.memory_space<hbm>>
    %dma_wait3A_191 = arith.constant 0 : i32
    %dma_wait3A_192 = arith.constant 0 : i32
    %dma_wait3A_193 = tpu.memref_slice %arg9[%dma_wait3A_191, %dma_wait3A_192] : memref<512x128xf32, #tpu.memory_space<vmem>> -> memref<128x128xf32, #tpu.memory_space<vmem>>
    tpu.wait_dma2 semaphore(%arg13 : memref<!tpu.dma_semaphore, #tpu.memory_space<semaphore_mem>>) src(%dma_wait3A_193 : memref<128x128xf32, #tpu.memory_space<vmem>>) dst(%dma_wait3A_190 : memref<128x128xf32, #tpu.memory_space<hbm>>)
    %dma_wait3A_194 = arith.constant 128 : i32
    %dma_wait3A_195 = arith.constant 0 : i32
    %dma_wait3A_196 = tpu.memref_slice %arg9[%dma_wait3A_194, %dma_wait3A_195] : memref<512x128xf32, #tpu.memory_space<vmem>> -> memref<128x128xf32, #tpu.memory_space<vmem>>
    %dma_wait3A_197 = arith.constant 0 : i32
    %dma_wait3A_198 = tpu.memref_slice %arg5[%add3A_133, %dma_wait3A_197] : memref<16384x128xf32, #tpu.memory_space<hbm>> -> memref<128x128xf32, #tpu.memory_space<hbm>>
    %dma_wait3A_199 = arith.constant 0 : i32
    %dma_wait3A_200 = tpu.memref_slice %arg5[%add3A_133, %dma_wait3A_199] : memref<16384x128xf32, #tpu.memory_space<hbm>> -> memref<128x128xf32, #tpu.memory_space<hbm>>
    %dma_wait3A_201 = arith.constant 128 : i32
    %dma_wait3A_202 = arith.constant 0 : i32
    %dma_wait3A_203 = tpu.memref_slice %arg9[%dma_wait3A_201, %dma_wait3A_202] : memref<512x128xf32, #tpu.memory_space<vmem>> -> memref<128x128xf32, #tpu.memory_space<vmem>>
    tpu.wait_dma2 semaphore(%arg13 : memref<!tpu.dma_semaphore, #tpu.memory_space<semaphore_mem>>) src(%dma_wait3A_203 : memref<128x128xf32, #tpu.memory_space<vmem>>) dst(%dma_wait3A_200 : memref<128x128xf32, #tpu.memory_space<hbm>>)
    %dma_wait3A_204 = arith.constant 256 : i32
    %dma_wait3A_205 = arith.constant 0 : i32
    %dma_wait3A_206 = tpu.memref_slice %arg9[%dma_wait3A_204, %dma_wait3A_205] : memref<512x128xf32, #tpu.memory_space<vmem>> -> memref<128x128xf32, #tpu.memory_space<vmem>>
    %dma_wait3A_207 = arith.constant 0 : i32
    %dma_wait3A_208 = tpu.memref_slice %arg5[%add3A_153, %dma_wait3A_207] : memref<16384x128xf32, #tpu.memory_space<hbm>> -> memref<128x128xf32, #tpu.memory_space<hbm>>
    %dma_wait3A_209 = arith.constant 0 : i32
    %dma_wait3A_210 = tpu.memref_slice %arg5[%add3A_153, %dma_wait3A_209] : memref<16384x128xf32, #tpu.memory_space<hbm>> -> memref<128x128xf32, #tpu.memory_space<hbm>>
    %dma_wait3A_211 = arith.constant 256 : i32
    %dma_wait3A_212 = arith.constant 0 : i32
    %dma_wait3A_213 = tpu.memref_slice %arg9[%dma_wait3A_211, %dma_wait3A_212] : memref<512x128xf32, #tpu.memory_space<vmem>> -> memref<128x128xf32, #tpu.memory_space<vmem>>
    tpu.wait_dma2 semaphore(%arg13 : memref<!tpu.dma_semaphore, #tpu.memory_space<semaphore_mem>>) src(%dma_wait3A_213 : memref<128x128xf32, #tpu.memory_space<vmem>>) dst(%dma_wait3A_210 : memref<128x128xf32, #tpu.memory_space<hbm>>)
    %dma_wait3A_214 = arith.constant 384 : i32
    %dma_wait3A_215 = arith.constant 0 : i32
    %dma_wait3A_216 = tpu.memref_slice %arg9[%dma_wait3A_214, %dma_wait3A_215] : memref<512x128xf32, #tpu.memory_space<vmem>> -> memref<128x128xf32, #tpu.memory_space<vmem>>
    %dma_wait3A_217 = arith.constant 0 : i32
    %dma_wait3A_218 = tpu.memref_slice %arg5[%add3A_173, %dma_wait3A_217] : memref<16384x128xf32, #tpu.memory_space<hbm>> -> memref<128x128xf32, #tpu.memory_space<hbm>>
    %dma_wait3A_219 = arith.constant 0 : i32
    %dma_wait3A_220 = tpu.memref_slice %arg5[%add3A_173, %dma_wait3A_219] : memref<16384x128xf32, #tpu.memory_space<hbm>> -> memref<128x128xf32, #tpu.memory_space<hbm>>
    %dma_wait3A_221 = arith.constant 384 : i32
    %dma_wait3A_222 = arith.constant 0 : i32
    %dma_wait3A_223 = tpu.memref_slice %arg9[%dma_wait3A_221, %dma_wait3A_222] : memref<512x128xf32, #tpu.memory_space<vmem>> -> memref<128x128xf32, #tpu.memory_space<vmem>>
    tpu.wait_dma2 semaphore(%arg13 : memref<!tpu.dma_semaphore, #tpu.memory_space<semaphore_mem>>) src(%dma_wait3A_223 : memref<128x128xf32, #tpu.memory_space<vmem>>) dst(%dma_wait3A_220 : memref<128x128xf32, #tpu.memory_space<hbm>>)
    return
  }
}

module attributes {stable_mosaic.version = 14 : i64} {
  func.func @_tc_finalize(%arg0: i32, %arg1: memref<8192x128xf32, #tpu.memory_space<vmem>>, %arg2: memref<1x128xf32, #tpu.memory_space<vmem>>, %arg3: memref<8192x128xf32, #tpu.memory_space<vmem>>) attributes {dimension_semantics = [#tpu.dimension_semantics<arbitrary>], iteration_bounds = array<i64: 2>, scalar_prefetch = 0 : i64, scratch_operands = 0 : i64, tpu.core_type = #tpu.core_type<tc>, window_params = [{transform_indices = @transform_0, window_bounds = array<i64: 8192, 128>}, {pipeline_mode = #tpu.pipeline_mode<synchronous>, transform_indices = @transform_1, window_bounds = array<i64: 1, 128>}, {transform_indices = @transform_2, window_bounds = array<i64: 8192, 128>}]} {
    %get3A = arith.constant 0 : index
    %get3A_0 = arith.constant 0 : index
    %get3A_1 = vector.load %arg1[%get3A, %get3A_0] : memref<8192x128xf32, #tpu.memory_space<vmem>>, vector<8192x128xf32>
    %exp3A = math.exp %get3A_1 : vector<8192x128xf32>
    %get3A_2 = arith.constant 0 : index
    %get3A_3 = arith.constant 0 : index
    %get3A_4 = vector.load %arg2[%get3A_2, %get3A_3] : memref<1x128xf32, #tpu.memory_space<vmem>>, vector<1x128xf32>
    %mul3A = vector.broadcast %get3A_4 : vector<1x128xf32> to vector<8192x128xf32>
    %mul3A_5 = arith.mulf %exp3A, %mul3A : vector<8192x128xf32>
    %swap3A = arith.constant 0 : index
    %swap3A_6 = arith.constant 0 : index
    %swap3A_7 = vector.load %arg3[%swap3A, %swap3A_6] : memref<8192x128xf32, #tpu.memory_space<vmem>>, vector<8192x128xf32>
    tpu.vector_store %arg3[%swap3A, %swap3A_6], %mul3A_5 {strides = array<i32>} : memref<8192x128xf32, #tpu.memory_space<vmem>>, vector<8192x128xf32>,
    return
  }
  func.func @transform_0(%arg0: i32) -> (i32, i32) {
    %c0_i32 = arith.constant 0 : i32
    %c0_i32_0 = arith.constant 0 : i32
    return %arg0, %c0_i32 : i32, i32
  }
  func.func @transform_1(%arg0: i32) -> (i32, i32) {
    %c0_i32 = arith.constant 0 : i32
    %c0_i32_0 = arith.constant 0 : i32
    %c0_i32_1 = arith.constant 0 : i32
    return %c0_i32, %c0_i32_0 : i32, i32
  }
  func.func @transform_2(%arg0: i32) -> (i32, i32) {
    %c0_i32 = arith.constant 0 : i32
    %c0_i32_0 = arith.constant 0 : i32
    return %arg0, %c0_i32 : i32, i32
  }
}

module attributes {stable_mosaic.version = 14 : i64} {
  func.func @_tc_sumexp(%arg0: i32, %arg1: memref<20000x128xf32, #tpu.memory_space<vmem>>, %arg2: memref<1x128xf32, #tpu.memory_space<vmem>>, %arg3: memref<1x128xf32, #tpu.memory_space<vmem>>) attributes {dimension_semantics = [#tpu.dimension_semantics<arbitrary>], iteration_bounds = array<i64: 5>, scalar_prefetch = 0 : i64, scratch_operands = 1 : i64, tpu.core_type = #tpu.core_type<tc>, window_params = [{transform_indices = @transform_0, window_bounds = array<i64: 20000, 128>}, {pipeline_mode = #tpu.pipeline_mode<synchronous>, transform_indices = @transform_1, window_bounds = array<i64: 1, 128>}]} {
    %eq3A = arith.constant 0 : i32
    %eq3A_0 = arith.cmpi eq, %arg0, %eq3A : i32
    %convert_element_type3A = arith.extui %eq3A_0 : i1 to i32
    %cond3A = arith.constant 0 : i32
    %cond3A_1 = arith.cmpi ne, %convert_element_type3A, %cond3A : i32
    scf.if %cond3A_1 {
      %broadcast_in_dim3A_15 = arith.constant 0.000000e+00 : f32
      %broadcast_in_dim3A_16 = vector.broadcast %broadcast_in_dim3A_15 : f32 to vector<1x128xf32>
      %swap3A_17 = arith.constant 0 : index
      %swap3A_18 = arith.constant 0 : index
      %swap3A_19 = vector.load %arg3[%swap3A_17, %swap3A_18] : memref<1x128xf32, #tpu.memory_space<vmem>>, vector<1x128xf32>
      tpu.vector_store %arg3[%swap3A_17, %swap3A_18], %broadcast_in_dim3A_16 {strides = array<i32>} : memref<1x128xf32, #tpu.memory_space<vmem>>, vector<1x128xf32>,
    } else {
    }
    %get3A = arith.constant 0 : index
    %get3A_2 = arith.constant 0 : index
    %get3A_3 = vector.load %arg3[%get3A, %get3A_2] : memref<1x128xf32, #tpu.memory_space<vmem>>, vector<1x128xf32>
    %get3A_4 = arith.constant 0 : index
    %get3A_5 = arith.constant 0 : index
    %get3A_6 = vector.load %arg1[%get3A_4, %get3A_5] : memref<20000x128xf32, #tpu.memory_space<vmem>>, vector<20000x128xf32>
    %exp3A = math.exp %get3A_6 : vector<20000x128xf32>
    %reduce_sum3A = arith.constant dense<0.000000e+00> : vector<128xf32>
    %reduce_sum3A_7 = vector.multi_reduction <add>, %exp3A, %reduce_sum3A [0] : vector<20000x128xf32> to vector<128xf32>
    %broadcast_in_dim3A = vector.shape_cast %reduce_sum3A_7 : vector<128xf32> to vector<1x128xf32>
    %add3A = arith.addf %get3A_3, %broadcast_in_dim3A : vector<1x128xf32>
    %swap3A = arith.constant 0 : index
    %swap3A_8 = arith.constant 0 : index
    %swap3A_9 = vector.load %arg3[%swap3A, %swap3A_8] : memref<1x128xf32, #tpu.memory_space<vmem>>, vector<1x128xf32>
    tpu.vector_store %arg3[%swap3A, %swap3A_8], %add3A {strides = array<i32>} : memref<1x128xf32, #tpu.memory_space<vmem>>, vector<1x128xf32>,
    %eq3A_10 = arith.constant 4 : i32
    %eq3A_11 = arith.cmpi eq, %arg0, %eq3A_10 : i32
    %convert_element_type3A_12 = arith.extui %eq3A_11 : i1 to i32
    %cond3A_13 = arith.constant 0 : i32
    %cond3A_14 = arith.cmpi ne, %convert_element_type3A_12, %cond3A_13 : i32
    scf.if %cond3A_14 {
      %get3A_15 = arith.constant 0 : index
      %get3A_16 = arith.constant 0 : index
      %get3A_17 = vector.load %arg3[%get3A_15, %get3A_16] : memref<1x128xf32, #tpu.memory_space<vmem>>, vector<1x128xf32>
      %div3A = arith.constant 1.000000e+00 : f32
      %div3A_18 = vector.broadcast %div3A : f32 to vector<1x128xf32>
      %div3A_19 = arith.divf %div3A_18, %get3A_17 : vector<1x128xf32>
      %swap3A_20 = arith.constant 0 : index
      %swap3A_21 = arith.constant 0 : index
      %swap3A_22 = vector.load %arg2[%swap3A_20, %swap3A_21] : memref<1x128xf32, #tpu.memory_space<vmem>>, vector<1x128xf32>
      tpu.vector_store %arg2[%swap3A_20, %swap3A_21], %div3A_19 {strides = array<i32>} : memref<1x128xf32, #tpu.memory_space<vmem>>, vector<1x128xf32>,
    } else {
    }
    return
  }
  func.func @transform_0(%arg0: i32) -> (i32, i32) {
    %c0_i32 = arith.constant 0 : i32
    %c0_i32_0 = arith.constant 0 : i32
    return %arg0, %c0_i32 : i32, i32
  }
  func.func @transform_1(%arg0: i32) -> (i32, i32) {
    %c0_i32 = arith.constant 0 : i32
    %c0_i32_0 = arith.constant 0 : i32
    %c0_i32_1 = arith.constant 0 : i32
    return %c0_i32, %c0_i32_0 : i32, i32
  }
}

</mosaic_0001>

<sc_bundles>
// kernel: kernel.5.cloned.1.call-start
scs
__scs_entry_jumppad:
0x0: {  	(pc) =	sbr.rel $0x88, $3  }
0x1: {  	(tag) =	ssettag $0x0;
	lr =	simm.s32 $0x1  }
0x2: {  	[smem:$0x3F9F] =	sst lr;
	_ =	strace $0xD0000000  }
0x3: {  	_ = 	snop  }
0x4: {  	_ = 	snop  }
0x5: {  	_ = 	snop  }
0x6: {  	_ = 	snop  }
0x7: {  	_ = 	snop  }
__scs_overlays_trampoline_lowered:
0x8: {  	[smem:$0x3FAE] =	sst s0  }
0x9: {  	[smem:$0x3FAF] =	sst s1  }
0xa: {  	[smem:$0x3FB0] =	sst s2  }
0xb: {  	[smem:$0x3FB1] =	sst s3  }
0xc: {  	[smem:$0x3FB2] =	sst s4  }
0xd: {  	[smem:$0x3FB3] =	sst s5  }
0xe: {  	[smem:$0x3FB4] =	sst s6  }
0xf: {  	[smem:$0x3FB5] =	sst s7  }
0x10: {  	[smem:$0x3FB6] =	sst s8  }
0x11: {  	[smem:$0x3FB7] =	sst s9;
	s0 =	simm.s32 @!p0 $0x0  }
0x12: {  	s1 =	sld [smem:$0x3F9D];
	s0 =	simm.s32 @p0 $0x1  }
0x13: {  	[smem:$0x3FB8] =	sst s0;
	s0 =	simm.s32 @!p1 $0x0  }
0x14: {  	s2 =	sld [smem:$0x3F9C];
	s0 =	simm.s32 @p1 $0x1  }
0x15: {  	[smem:$0x3FB9] =	sst s0;
	s0 =	simm.s32 @!p2 $0x0  }
0x16: {  	s3 =	sld [smem:$0x3FDB];
	s0 =	simm.s32 @p2 $0x1  }
0x17: {  	s4 =	simm.s32 $0x1BF5;
	[smem:$0x3FBB] =	sst s0  }
0x18: {  	s0 =	sld [smem:$0x3F9E];
	_ =	swait.ge [sflag:s4], $0x0  }
0x19: {  	s7 =	sld [smem:$0x3F9F]  }
0x1a: {  	s8 =	sadd.s32 $0xFFFFE003, lr  }
0x1b: {  	s9 =	sadd.s32 $0xFFFFFEF7, lr;
	s5 =	simm.s32 $0xFFFFFFFF;
	p2 =	slt.u32 s8, $0xFFFFF086  }
0x1c: {  	p1 =	slt.u32 s9, $0xF7A;
	s5 =	simm.s32 @!p2 $0x0  }
0x1d: {  	s5 =	simm.s32 @p1 $0x1;
	p0 =	seq.s32 s7, s2  }
0x1e: {  	s7 =	smul.u32 @!p0 $0xF7A, s2;
	p2 =	seq.s32 @!p0 s5, $0x0  }
0x1f: {  	s9 =	smul.u32 $0xF7A, s1;
	s8 =	simm.s32 @!p0 $0x1BF5;
	p2 =	por !p2, p0  }
0x20: {  	[sflag:s8] =	ssyncset.s32 @!p0 $0xFFFFF086;
	s6 =	sadd.s32 @!p0 s3, s7;
	s7 =	simm.s32 @!p0 $0x108  }
0x21: {  	s3 =	sadd.s32 s3, s9;
	s6 =	sadd.s32 @!p0 $0x88, s6;
	s7 =	simm.s32 @p2 $0x1082  }
0x22: {  	[simem:s7], [sflag:s8] =	dma.local @!p0 [hbm:s6], $0xF7A  }
0x23: {  	s9 =	sor.u32 $0xD0000000, s2;
	s6 =	simm.s32 $0x108;
	_ =	swait.ge @!p0 [sflag:s8], $0x0  }
0x24: {  	s3 =	sadd.s32 $0x88, s3;
	s6 =	simm.s32 @!p1 $0x1082;
	[sflag:s4] =	ssyncset.s32 $0xFFFFF086  }
0x25: {  	[simem:s6], [sflag:s4] =	dma.local [hbm:s3], $0xF7A  }
0x26: {  	[smem:$0x3F9F] =	sst s1;
	(tag) =	ssettag s2;
	_ =	strace s9  }
0x27: {  	s1 =	sld [smem:$0x3FAF]  }
0x28: {  	s2 =	sld [smem:$0x3FB0]  }
0x29: {  	s4 =	sld [smem:$0x3FB2]  }
0x2a: {  	p0 =	seq.s32 s5, $0x0;
	s5 =	sld [smem:$0x3FB3]  }
0x2b: {  	s6 =	sld [smem:$0x3FB4]  }
0x2c: {  	s7 =	sld [smem:$0x3FB5]  }
0x2d: {  	s3 =	simm.s32 $0x108;
	s8 =	sld [smem:$0x3FB6]  }
0x2e: {  	s3 =	simm.s32 @!p0 $0x1082;
	s9 =	sld [smem:$0x3FB7]  }
0x2f: {  	lr =	sadd.s32 s0, s3;
	s0 =	sld [smem:$0x3FAE]  }
0x30: {  	s3 =	sld [smem:$0x3FB1]  }
0x31: {  	[smem:$0x3FBA] =	sst s10  }
0x32: {  	s10 =	sld [smem:$0x3FB8];
	_ =	sdelay $0x3  }
0x33: {  	p0 =	seq.s32 s10, $0x1;
	s10 =	sld [smem:$0x3FBA];
	_ =	sdelay $0x3  }
0x34: {  	[smem:$0x3FBA] =	sst s10  }
0x35: {  	s10 =	sld [smem:$0x3FB9];
	_ =	sdelay $0x3  }
0x36: {  	p1 =	seq.s32 s10, $0x1;
	s10 =	sld [smem:$0x3FBA];
	_ =	sdelay $0x3  }
0x37: {  	[smem:$0x3FBA] =	sst s10  }
0x38: {  	s10 =	sld [smem:$0x3FBB]  }
0x39: {  	_ = 	snop;
	(pc) =	sbr.ind lr, $3  }
0x3a: {  	_ = 	snop  }
0x3b: {  	_ = 	snop  }
0x3c: {  	p2 =	seq.s32 s10, $0x1;
	s10 =	sld [smem:$0x3FBA]  }
0x3d: {  	_ =	shalt  }
0x3e: {  	_ =	shalt  }
0x3f: {  	_ =	shalt  }
0x40: {  	_ =	shalt  }
0x41: {  	_ =	shalt  }
0x42: {  	_ =	shalt  }
0x43: {  	_ =	shalt  }
0x44: {  	_ =	shalt  }
0x45: {  	_ =	shalt  }
0x46: {  	_ =	shalt  }
0x47: {  	_ =	shalt  }
0x48: {  	_ =	shalt  }
0x49: {  	_ =	shalt  }
0x4a: {  	_ =	shalt  }
0x4b: {  	_ =	shalt  }
0x4c: {  	_ =	shalt  }
0x4d: {  	_ =	shalt  }
0x4e: {  	_ =	shalt  }
0x4f: {  	_ =	shalt  }
0x50: {  	_ =	shalt  }
0x51: {  	_ =	shalt  }
0x52: {  	_ =	shalt  }
0x53: {  	_ =	shalt  }
0x54: {  	_ =	shalt  }
0x55: {  	_ =	shalt  }
0x56: {  	_ =	shalt  }
0x57: {  	_ =	shalt  }
0x58: {  	_ =	shalt  }
0x59: {  	_ =	shalt  }
0x5a: {  	_ =	shalt  }
0x5b: {  	_ =	shalt  }
0x5c: {  	_ =	shalt  }
0x5d: {  	_ =	shalt  }
0x5e: {  	_ =	shalt  }
0x5f: {  	_ =	shalt  }
0x60: {  	_ =	shalt  }
0x61: {  	_ =	shalt  }
0x62: {  	_ =	shalt  }
0x63: {  	_ =	shalt  }
0x64: {  	_ =	shalt  }
0x65: {  	_ =	shalt  }
0x66: {  	_ =	shalt  }
0x67: {  	_ =	shalt  }
0x68: {  	_ =	shalt  }
0x69: {  	_ =	shalt  }
0x6a: {  	_ =	shalt  }
0x6b: {  	_ =	shalt  }
0x6c: {  	_ =	shalt  }
0x6d: {  	_ =	shalt  }
0x6e: {  	_ =	shalt  }
0x6f: {  	_ =	shalt  }
0x70: {  	_ =	shalt  }
0x71: {  	_ =	shalt  }
0x72: {  	_ =	shalt  }
0x73: {  	_ =	shalt  }
0x74: {  	_ =	shalt  }
0x75: {  	_ =	shalt  }
0x76: {  	_ =	shalt  }
0x77: {  	_ =	shalt  }
0x78: {  	_ =	shalt  }
0x79: {  	_ =	shalt  }
0x7a: {  	_ =	shalt  }
0x7b: {  	_ =	shalt  }
0x7c: {  	_ =	shalt  }
0x7d: {  	_ =	shalt  }
0x7e: {  	_ =	shalt  }
0x7f: {  	_ =	shalt  }
0x80: {  	_ =	shalt  }
0x81: {  	_ =	shalt  }
0x82: {  	_ =	shalt  }
0x83: {  	_ =	shalt  }
0x84: {  	_ =	shalt  }
0x85: {  	_ =	shalt  }
0x86: {  	_ =	shalt  }
0x87: {  	_ =	shalt  }
.Lfunc_end0:
.L_simem_size_0:
called_computation_lowered:
.L_overlay_start_0:
0x88: {  	s2 =	sld [smem:$0x3FD9]  }
0x89: {  	s3 =	sld [smem:$0x3FFE];
	_ =	sdelay $0x1  }
0x8a: {  	s1 =	srdreg.scid  }
0x8b: {  	s0 =	sand.u32 $0x1, s1  }
0x8c: {  	s17 =	sshll.u32 s0, $0xA;
	s2 =	sadd.s32 s3, s2  }
0x8d: {  	s2 =	sadd.s32 s2, s17  }
0x8e: {  	[smem:$0x3FC6] =	sst s2  }
0x8f: {  	_ = 	snop  }
0x90: {  	s2 =	sld [smem:$0x3FC9]  }
0x91: {  	s18 =	sld [smem:$0x3FC8]  }
0x92: {  	s4 =	sld [smem:$0x3FD0];
	(tm) =	ssettm $0x1  }
0x93: {  	s5 =	sld [smem:$0x3FFB];
	_ =	sdelay $0x3  }
0x94: {  	_ =	strace s5  }
0x95: {  	s5 =	sld [smem:$0x3FFC];
	_ =	sdelay $0x3  }
0x96: {  	_ =	strace s5  }
0x97: {  	s5 =	sld [smem:$0x3FFD];
	_ =	sdelay $0x3  }
0x98: {  	_ =	strace s5  }
0x99: {  	_ =	strace $0x8FFFFFFF  }
0x9a: {  	s19 =	sld [smem:$0x3FDB];
	_ =	sdelay $0x1  }
0x9b: {  	s6 =	simm.s32 $_scs_section_size  }
0x9c: {  	s7 =	simm.s32 $_size__tile_overlayer_lowered;
	s8 =	simm.s32 $_tile_overlayer_lowered  }
0x9d: {  	s22 =	simm.s32 $0x1BFF;
	s21 =	sshll.u32 s8, $0x1;
	s5 =	sadd.s32 s6, s19  }
0x9e: {  	s9 =	simm.s32 $0x0;
	s20 =	sshll.u32 s7, $0x1;
	s7 =	sadd.s32 s21, s5  }
0x9f: {  	[timem:s9], [sflag:s22] =	dma.local [hbm:s7], s20  }
0xa0: {  	_ =	swait.ge [sflag:s22], s20  }
0xa1: {  	s6 =	ssub.s32 $0x0, s20;
	[sflag:s22] =	ssyncset.done $0x0  }
0xa2: {  	[sflag:s22] =	ssyncadd.s32 s6;
	_ =	sdelay $0x1  }
0xa3: {  	s23 =	simm.s32 $0x1B8B  }
0xa4: {  	_ =	swait.ge [sflag:s23], $0x1  }
0xa5: {  	[sflag:s23] =	ssyncset.done $0x0  }
0xa6: {  	s25 =	simm.s32 $0x1B8E;
	s24 =	sld [smem:$0x3FFE];
	[sflag:s23] =	ssyncadd.s32 $0xFFFFFFFF  }
0xa7: {  	s26 =	simm.s32 $execute0_lowered;
	[smem:$0x3FD2] =	sst s25  }
0xa8: {  	s7 =	sshll.u32 s26, $0x1;
	_ =	strace $0x80000046;
	[dreg:$0x1] =	wrdreg $0xFFFFFFFF  }
0xa9: {  	s28 =	simm.s32 $_size_execute0_lowered;
	s5 =	sadd.s32 s5, s7;
	[dreg:$0x0] =	wrdreg $0x0  }
0xaa: {  	s7 =	sshll.u32 s28, $0x1;
	[dreg:$0x2] =	wrdreg s5  }
0xab: {  	[dreg:$0x3] =	wrdreg s7  }
0xac: {  	[dreg:$0x4] =	wrdreg $0xC0  }
0xad: {  	_ =	task [dreg:s9], $0x5FFFF  }
0xae: {  	[dreg:$0x1] =	wrdreg $0xFFFFFFFF  }
0xaf: {  	[dreg:$0x0] =	wrdreg $0x60  }
0xb0: {  	[dreg:$0x2] =	wrdreg s18  }
0xb1: {  	[dreg:$0x3] =	wrdreg s2  }
0xb2: {  	[dreg:$0x4] =	wrdreg s24  }
0xb3: {  	[dreg:$0x5] =	wrdreg s4  }
0xb4: {  	[dreg:$0x6] =	wrdreg $0x106000  }
0xb5: {  	[dreg:$0x7] =	wrdreg $0x9  }
0xb6: {  	_ =	task.clear_ibuf [dreg:s9], $0x8FFFF;
	_ =	strace $0x90000046  }
0xb7: {  	s29 =	simm.s32 $0x9;
	_ =	strace $0x80000048  }
0xb8: {  	_ =	swait.ge [sflag:s29], $0x1  }
0xb9: {  	[sflag:s29] =	ssyncadd.s32 $0xFFFFFFFF  }
0xba: {  	_ =	strace $0x90000048  }
0xbb: {  	_ =	sfence  }
0xbc: {  	s30 =	sld [smem:$0x0];
	_ =	sdelay $0x2  }
0xbd: {  	s31 =	sshll.u32 s1, $0xD;
	s1 =	sshrl.u32 s1, $0x2  }
0xbe: {  	s3 =	sand.u32 $0x4000, s31;
	s1 =	sadd.s32 s1, s30  }
0xbf: {  	s0 =	sor.u32 s3, s0;
	s1 =	sshll.u32 s1, $0x11  }
0xc0: {  	s0 =	sor.u32 s1, s0  }
0xc1: {  	s0 =	sadd.s32 $0x8F2B, s0  }
0xc2: {  	[sflag:s0] =	ssyncadd.remote.s32 $0x1  }
0xc3: {  	_ =	sfence.sel $0xFFFF  }
0xc4: {  	[dreg:$0x0] =	wrdreg $0xFFFFFFFF;
	(pc) =	sbr.abs _section_cstart, $3  }
0xc5: {  	[dreg:$0x1] =	wrdreg $0xFFFFFFFF  }
0xc6: {  	_ =	task.clear_ibuf [dreg:s9], $0x2FFFF;
	_ =	strace $0x9FFFFFFF  }
0xc7: {  	(tm) =	ssettm $0x7FFFFFFF  }
tec
execute0_lowered:
.L_overlay_start_1:
0x0: {  	(tag) =	ssettag $0x1  }
0x1: {  	s1 =	rddreg [dreg:$0x0]  }
0x2: {  	s0 =	rddreg [dreg:$0x1]  }
0x3: {  	s4 =	rddreg [dreg:$0x2]  }
0x4: {  	s6 =	rddreg [dreg:$0x3]  }
0x5: {  	s2 =	rddreg [dreg:$0x4];
	s3 =	simm.s32 $0x0;
	s5 =	srdreg.scid  }
0x6: {  	s9 =	stileid.u32;
	s12 =	simm.s32 $0x4;
	s13 =	simm.s32 $0x80  }
0x7: {  	s14 =	simm.s32 $0x200;
	s15 =	simm.s32 $0x600;
	s17 =	simm.s32 $0x4600  }
0x8: {  	s19 =	simm.s32 $0x8600;
	s21 =	simm.s32 $0xC600;
	s22 =	simm.s32 $0x1  }
0x9: {  	s23 =	simm.s32 $0x400;
	s24 =	simm.s32 $0x480;
	s25 =	simm.s32 $0x500  }
0xa: {  	s26 =	simm.s32 $0x580;
	s28 =	simm.s32 $0x2;
	s29 =	simm.s32 $0x3  }
0xb: {  	s30 =	simm.s32 $0x0;
	[smem:$0x7FF] =	sst s3;
	s5 =	sand.u32 $0x1, s5  }
0xc: {  	s7 =	sshll.u32 s9, $0xA;
	s4 =	sadd.s32 $0x600, s4;
	s8 =	sshll.u32 s5, $0x9  }
0xd: {  	p0 =	sne.s32 s9, $0x0;
	s5 =	ssub.s32 $0x2, s5;
	s7 =	sor.u32 s8, s7  }
0xe: {  	_ =	strace $0x80000047;
	s31 =	sshrl.u32 s5, $0x1;
	s10 =	sshrl.u32 s7, $0x3  }
0xf: {  	s7 =	sshll.u32 s7, $0x4;
	s11 =	ssub.s32 s5, s31;
	s5 =	sadd.s32 s0, s10  }
0x10: {  	s6 =	sadd.s32 s6, s7;
	s10 =	smax.u32 s11, $0x1;
	s11 =	sshrl.u32 @!p0 s2, $0x3  }
0x11: {  	v0 =	vimm.s32 $0x0;
	v1 =	vlaneseq.u32;
	s7 =	sadd.s32 $0x800, s6;
	s8 =	sadd.s32 $0x1000, s6;
	s9 =	sadd.s32 $0x1800, s6  }
.LBB2_1:
0x12: {  	s0 =	simm.s32 @!p0 $0x1C04  }
0x13: {  	[spmem:s11], [sflag:s0] =	dma.local @!p0 [hbm:s4], $0x1000  }
0x14: {  	s0 =	simm.s32 @!p0 $0x4  }
0x15: {  	_ =	swait.ge @!p0 [sflag:s0], $0x1000  }
0x16: {  	[sflag:s0] =	ssyncset.done @!p0 $0x0  }
0x17: {  	[sflag:s0] =	ssyncadd.s32 @!p0 $0xFFFFF000  }
0x18: {  	[tilespmem:s3], [sflag:$0x4] =	stream.linear.gather [hbm4b:s5+s3], $0x200, $0x38;
	[tilespmem:$0x10E00] =	vst v63  }
0x19: {  	_ =	swait.ge [sflag:s12], $0x200  }
0x1a: {  	[sflag:s12] =	ssyncset.done $0x0  }
0x1b: {  	[sflag:s12] =	ssyncadd.s32 $0xFFFFFE00  }
0x1c: {  	v2 =	vld [tilespmem:s3+$0x0];
	_ =	sdelay $0x4  }
0x1d: {  	vm0 =	vgt.s32 v2, $0x1869F  }
0x1e: {  	s20 =	sand.u32 $0x70, s3;
	v3 =	vsel vm0, $0x80, v0  }
0x1f: {  	s31 =	simm.s32 $0x10;
	v2 =	vsel vm0, $0x1869F, v2;
	v3 =	vor.u32 s20, v3  }
0x20: {  	s16 =	simm.s32 $0x0;
	s18 =	simm.s32 $0x200;
	s0 =	simm.s32 $0x400;
	[tilespmem:s14+$0x0] =	vst v2;
	v2 =	vor.u32 v1, v3  }
.LBB2_2:
0x21: {  	[tilespmem:s0+$0x0] =	vst v2;
	s16 =	sadd.s32 $0x10, s16;
	s18 =	sadd.s32 $0x10, s18;
	s0 =	sadd.s32 $0x10, s0  }
0x22: {  	p1 =	sne.s32 s31, $0x1F0;
	s20 =	smov.u32 s31;
	s31 =	sadd.s32 $0x10, s31;
	v2 =	vld [tilespmem:s16+$0x0]  }
0x23: {  	_ =	sdelay $0x2  }
.Ltmp0:
0x24: {  	(pc) =	sbr.rel @p1 .LBB2_2-.Ltmp0, $4  }
0x25: {  	vm0 =	vgt.s32 v2, $0x1869F  }
0x26: {  	s20 =	sand.u32 $0x70, s20;
	v2 =	vsel vm0, $0x1869F, v2;
	v3 =	vsel vm0, $0x80, v0  }
0x27: {  	[tilespmem:s18+$0x0] =	vst v2;
	v2 =	vor.u32 s20, v3  }
0x28: {  	v2 =	vor.u32 v1, v2  }
0x29: {  	[tilespmem:s0+$0x0] =	vst v2  }
0x2a: {  	[tilespmem:s15], [sflag:$0x1] =	stream.indirect.gather [hbm4b:s1+s13], $0x80, s14, s13, $0xb8;
	[tilespmem:$0x10E00] =	vst v63  }
0x2b: {  	s18 =	simm.s32 $0x280  }
0x2c: {  	[tilespmem:s17], [sflag:$0x1] =	stream.indirect.gather [hbm4b:s1+s13], $0x80, s18, s13, $0xb8;
	[tilespmem:$0x10E00] =	vst v63  }
0x2d: {  	s20 =	simm.s32 $0x300  }
0x2e: {  	[tilespmem:s19], [sflag:$0x1] =	stream.indirect.gather [hbm4b:s1+s13], $0x80, s20, s13, $0xb8;
	[tilespmem:$0x10E00] =	vst v63  }
0x2f: {  	s31 =	simm.s32 $0x380  }
0x30: {  	[tilespmem:s21], [sflag:$0x1] =	stream.indirect.gather [hbm4b:s1+s13], $0x80, s31, s13, $0xb8;
	[tilespmem:$0x10E00] =	vst v63  }
0x31: {  	[bflag:$0x0] =	sbarrier.arrive $0xFFFF  }
0x32: {  	_ =	swait.ge [sflag:s22], $0x4000  }
0x33: {  	[sflag:s22] =	ssyncset.done $0x0  }
0x34: {  	[sflag:s22] =	ssyncadd.s32 $0xFFFFC000  }
0x35: {  	[tilespmem:s15], [sflag:$0x2] =	stream.indirect.gather.add.f32 [spmem:s2], $0x80, s23, s13, $0xb8;
	[tilespmem:$0x10E00] =	vst v63  }
0x36: {  	_ =	swait.ge [sflag:s22], $0x4000  }
0x37: {  	[sflag:s22] =	ssyncset.done $0x0  }
0x38: {  	[sflag:s22] =	ssyncadd.s32 $0xFFFFC000  }
0x39: {  	[tilespmem:s17], [sflag:$0x2] =	stream.indirect.gather.add.f32 [spmem:s2], $0x80, s24, s13, $0xb8;
	[tilespmem:$0x10E00] =	vst v63  }
0x3a: {  	_ =	swait.ge [sflag:s22], $0x4000  }
0x3b: {  	[sflag:s22] =	ssyncset.done $0x0  }
0x3c: {  	[sflag:s22] =	ssyncadd.s32 $0xFFFFC000  }
0x3d: {  	[tilespmem:s19], [sflag:$0x2] =	stream.indirect.gather.add.f32 [spmem:s2], $0x80, s25, s13, $0xb8;
	[tilespmem:$0x10E00] =	vst v63  }
0x3e: {  	_ =	swait.ge [sflag:s22], $0x4000  }
0x3f: {  	[sflag:s22] =	ssyncset.done $0x0  }
0x40: {  	[sflag:s22] =	ssyncadd.s32 $0xFFFFC000  }
0x41: {  	[tilespmem:s21], [sflag:$0x2] =	stream.indirect.gather.add.f32 [spmem:s2], $0x80, s26, s13, $0xb8;
	[tilespmem:$0x10E00] =	vst v63  }
0x42: {  	_ =	swait.ge [sflag:s28], $0x4000  }
0x43: {  	[sflag:s28] =	ssyncset.done $0x0  }
0x44: {  	[sflag:s28] =	ssyncadd.s32 $0xFFFFC000  }
0x45: {  	[hbm4b:s6+s3] =	stream.linear.scatter [tilespmem:s15], [sflag:$0x3], $0x4000, $0x38;
	[tilespmem:$0x10E00] =	vst v63  }
0x46: {  	_ =	swait.ge [sflag:s28], $0x4000  }
0x47: {  	[sflag:s28] =	ssyncset.done $0x0  }
0x48: {  	[sflag:s28] =	ssyncadd.s32 $0xFFFFC000  }
0x49: {  	[hbm4b:s7+s3] =	stream.linear.scatter [tilespmem:s17], [sflag:$0x3], $0x4000, $0x38;
	[tilespmem:$0x10E00] =	vst v63  }
0x4a: {  	_ =	swait.ge [sflag:s28], $0x4000  }
0x4b: {  	[sflag:s28] =	ssyncset.done $0x0  }
0x4c: {  	[sflag:s28] =	ssyncadd.s32 $0xFFFFC000  }
0x4d: {  	[hbm4b:s8+s3] =	stream.linear.scatter [tilespmem:s19], [sflag:$0x3], $0x4000, $0x38;
	[tilespmem:$0x10E00] =	vst v63  }
0x4e: {  	_ =	swait.ge [sflag:s28], $0x4000  }
0x4f: {  	[sflag:s28] =	ssyncset.done $0x0  }
0x50: {  	[sflag:s28] =	ssyncadd.s32 $0xFFFFC000  }
0x51: {  	[hbm4b:s9+s3] =	stream.linear.scatter [tilespmem:s21], [sflag:$0x3], $0x4000, $0x38;
	[tilespmem:$0x10E00] =	vst v63  }
0x52: {  	_ =	swait.ge [sflag:s29], $0x4000  }
0x53: {  	[sflag:s29] =	ssyncset.done $0x0  }
0x54: {  	[sflag:s29] =	ssyncadd.s32 $0xFFFFC000  }
0x55: {  	_ =	swait.ge [sflag:s29], $0x4000  }
0x56: {  	[sflag:s29] =	ssyncset.done $0x0  }
0x57: {  	s30 =	sadd.s32 $0x1, s30;
	[sflag:s29] =	ssyncadd.s32 $0xFFFFC000  }
0x58: {  	p1 =	sne.s32 s30, s10;
	_ =	swait.ge [sflag:s29], $0x4000  }
.Ltmp1:
0x59: {  	[sflag:s29] =	ssyncset.done $0x0;
	(pc) =	sbr.rel @p1 .LBB2_1-.Ltmp1, $4  }
0x5a: {  	[sflag:s29] =	ssyncadd.s32 $0xFFFFC000  }
0x5b: {  	_ =	swait.ge [sflag:s29], $0x4000  }
0x5c: {  	[sflag:s29] =	ssyncset.done $0x0  }
0x5d: {  	[sflag:s29] =	ssyncadd.s32 $0xFFFFC000  }
0x5e: {  	_ =	sfence.sel $0x180000  }
0x5f: {  	[bflag:$0x0] =	sbarrier.arrive $0xFFFF  }
0x60: {  	_ =	strace $0x90000047  }
0x61: {  	[bflag:$0x2] =	sbarrier.arrive $0xFFFF  }
0x62: {  	s0 =	rddreg [dreg:$0x5]  }
0x63: {  	s0 =	sadd.s32 @!p0 $0x100000, s0  }
0x64: {  	[sflag:s0] =	ssyncadd.tile.s32 @!p0 $0x1;
	_ =	shalt  }
.Lfunc_end2:
_tile_overlayer_lowered:
.L_overlay_start_2:
0x65: {  	(tag) =	ssettag $0x2  }
0x66: {  	s0 =	rddreg [dreg:$0x0];
	s2 =	stileid.u32  }
0x67: {  	s1 =	rddreg [dreg:$0x1];
	p0 =	sne.s32 s2, $0x0  }
0x68: {  	s3 =	rddreg [dreg:$0x2];
	[bflag:$0x3] =	sbarrier.arrive $0xFFFF;
	s2 =	simm.s32 @!p0 $0x1C04  }
0x69: {  	[timem:s3], [sflag:s2] =	dma.local @!p0 [hbm:s0], s1  }
0x6a: {  	s0 =	simm.s32 @!p0 $0x4  }
0x6b: {  	_ =	swait.ge @!p0 [sflag:s0], s1  }
0x6c: {  	s1 =	ssub.s32 @!p0 $0x0, s1;
	[sflag:s0] =	ssyncset.done @!p0 $0x0  }
0x6d: {  	[sflag:s0] =	ssyncadd.s32 @!p0 s1  }
0x6e: {  	[bflag:$0x3] =	sbarrier.arrive $0xFFFF  }
0x6f: {  	_ =	shalt  }

</sc_bundles>
